<compile_context>
chip_gen: v7x
topology: tpu7x:2x2x1
jax: 0.10.2.dev20260603
libtpu: 0.0.44.dev20260713+nightly
codegen_flags: <defaults>
</compile_context>

<pallas_src>
import functools

import jax
import jax.numpy as jnp
from jax import lax
from jax.experimental import pallas as pl
from jax.experimental.pallas import tpu as pltpu
from jax.experimental.pallas import tpu_sc as plsc

_H2EV = 27.211386245988
_BB = 128
_Z = 128
_NP = 64
_L = 16


def _model_body(ct_ref, num_ref, embZ_ref, wcT_ref, ones_ref, pT_ref, out_ref):
    A = num_ref.shape[1]
    cfT = jnp.tanh(jnp.dot(wcT_ref[...], ct_ref[...],
                           preferred_element_type=jnp.float32))
    gT = jnp.dot(embZ_ref[...], cfT.astype(jnp.bfloat16),
                 preferred_element_type=jnp.float32)
    colT = (num_ref[...] - 1) & (_Z - 1)
    zidx = lax.broadcasted_iota(jnp.int32, (_Z, A), 0)
    selT = jnp.where(zidx == colT, gT, 0.0)
    paT = jnp.dot(ones_ref[...], selT.astype(jnp.bfloat16),
                  preferred_element_type=jnp.float32)
    pm = jnp.dot(paT.astype(jnp.bfloat16), pT_ref[...],
                 preferred_element_type=jnp.float32)
    out_ref[0, :, :] = pm * _H2EV


def _sae_kernel_fn(num_hbm, sae_hbm, out_hbm, num_v, sae_v, out_v, nc):
    bw = out_v.shape[0]
    wid = lax.axis_index("s") * nc + lax.axis_index("c")
    pltpu.sync_copy(num_hbm.at[wid], num_v)
    pltpu.sync_copy(sae_hbm, sae_v)

    def chunk(c, carry):
        def atom(n, acc):
            idx = num_v[n, pl.ds(c * _L, _L)]
            return acc + plsc.load_gather(sae_v, [idx])
        acc = lax.fori_loop(0, _NP, atom, jnp.zeros((_L,), jnp.float32))
        out_v[pl.ds(c * _L, _L)] = acc * _H2EV
        return carry

    lax.fori_loop(0, bw // _L, chunk, 0)
    pltpu.sync_copy(out_v, out_hbm.at[pl.ds(wid * bw, bw)])


def kernel(coord, numbers, charge, mult, emb_table, Wc, sae_tensor):
    B, N, _ = coord.shape
    D = emb_table.shape[1]
    numbers = numbers.astype(jnp.int32)

    ct = jnp.transpose(coord.reshape(B * N, 3), (1, 0)).astype(jnp.bfloat16)
    numr = numbers.reshape(1, B * N)
    embZ = jnp.zeros((_Z, D), jnp.float32).at[:118].set(
        emb_table[101:219]).astype(jnp.bfloat16)
    wcT = jnp.transpose(Wc, (1, 0)).astype(jnp.bfloat16)
    ones_row = jnp.ones((1, _Z), jnp.bfloat16)
    rows = lax.broadcasted_iota(jnp.int32, (_BB * N, _BB), 0)
    mols = lax.broadcasted_iota(jnp.int32, (_BB * N, _BB), 1)
    poolT = (rows // N == mols).astype(jnp.bfloat16)
    nblk = B // _BB
    model = pl.pallas_call(
        _model_body,
        grid=(nblk,),
        in_specs=[
            pl.BlockSpec((3, _BB * N), lambda i: (0, i)),
            pl.BlockSpec((1, _BB * N), lambda i: (0, i)),
            pl.BlockSpec((_Z, D), lambda i: (0, 0)),
            pl.BlockSpec((D, 3), lambda i: (0, 0)),
            pl.BlockSpec((1, _Z), lambda i: (0, 0)),
            pl.BlockSpec((_BB * N, _BB), lambda i: (0, 0)),
        ],
        out_specs=pl.BlockSpec((1, 1, _BB), lambda i: (i, 0, 0)),
        out_shape=jax.ShapeDtypeStruct((nblk, 1, _BB), jnp.float32),
        compiler_params=pltpu.CompilerParams(
            dimension_semantics=("parallel",)),
    )(ct, numr, embZ, wcT, ones_row, poolT)

    info = plsc.get_sparse_core_info()
    nc, ns = info.num_cores, info.num_subcores
    nw = nc * ns
    bw = B // nw
    zz = jnp.arange(_Z)
    sae128 = sae_tensor[jnp.where((zz > 0) & (zz < 119), zz + 100, 0)]
    numbers_p = jnp.pad(numbers, ((0, 0), (0, _NP - N)))
    numw = numbers_p.T.reshape(_NP, nw, bw).transpose(1, 0, 2)
    mesh = plsc.VectorSubcoreMesh(core_axis_name="c", subcore_axis_name="s")
    sae_e = pl.kernel(
        functools.partial(_sae_kernel_fn, nc=nc),
        out_type=jax.ShapeDtypeStruct((B,), jnp.float32),
        mesh=mesh,
        compiler_params=pltpu.CompilerParams(needs_layout_passes=False),
        scratch_types=[
            pltpu.VMEM((_NP, bw), jnp.int32),
            pltpu.VMEM((_Z,), jnp.float32),
            pltpu.VMEM((bw,), jnp.float32),
        ],
    )(numw, sae128)

    energy = model.reshape(B) + sae_e
    return (energy, coord, numbers, charge, mult)

# --- scband reference (transcript-rebuilt; emitter-appended) ---
"""Pipeline reference for scband-eager-fidelity-model-86672440033841 (READ-ONLY COPY).

The authoritative reference and input builder live on the scoring server;
editing this copy changes nothing except your own understanding.
"""

import jax, jax.numpy as jnp
import numpy as np

HARTREE_TO_EV = 27.211386245988
FIDELITY_LEVEL = 1
FIDELITY_OFFSET = 100
NUMBERS_SHIFT = FIDELITY_LEVEL * FIDELITY_OFFSET
SAE = {1: -0.500273, 6: -37.846772, 7: -54.583861, 8: -75.064579}
B, N, D = 16384, 50, 64
TENSOR_SIZE = max(max(SAE.keys()) + 1, 119, (FIDELITY_LEVEL + 1) * FIDELITY_OFFSET + 118)


def setup_inputs(seed: int = 0) -> dict:
    key = jax.random.key(seed)
    k1, k2, k3, k4 = jax.random.split(key, 4)
    coord = jax.random.normal(k1, (B, N, 3), dtype=jnp.float32)
    numbers = jax.random.randint(k2, (B, N), 0, 119, dtype=jnp.int32)
    charge = jnp.zeros((B,), dtype=jnp.float32)
    mult = jnp.ones((B,), dtype=jnp.float32)
    sae_np = np.zeros((TENSOR_SIZE,), dtype=np.float32)
    for z, e in SAE.items():
        sae_np[int(z) + NUMBERS_SHIFT] = e
    sae_tensor = jnp.asarray(sae_np)
    emb_table = jax.random.normal(k3, (TENSOR_SIZE, D), dtype=jnp.float32) * 0.02
    Wc = jax.random.normal(k4, (3, D), dtype=jnp.float32) * 0.1
    return {"coord": coord, "numbers": numbers, "charge": charge, "mult": mult,
            "emb_table": emb_table, "Wc": Wc, "sae_tensor": sae_tensor}


def _inner_model(coord, shifted_numbers, mask, emb_table, Wc):
    # Surrogate for the wrapped `model`: per-atom embedding lookup conditioned on coords.
    feats = jnp.take(emb_table, shifted_numbers, axis=0)          # [B, N, D] gather
    coord_feats = jnp.tanh(coord @ Wc)                             # [B, N, D]
    per_atom = (feats * coord_feats).sum(-1) * mask.astype(jnp.float32)
    return per_atom.sum(-1)                                        # [B] energy in hartree


def reference(coord, numbers, charge, mult, emb_table, Wc, sae_tensor):
    numbers_long = numbers.astype(jnp.int32)
    mask = numbers_long > 0
    # _shift_atomic_numbers: shift only real atoms (padding 0 stays 0)
    shifted_numbers = numbers_long + mask.astype(numbers_long.dtype) * NUMBERS_SHIFT
    model_energy = _inner_model(coord, shifted_numbers, mask, emb_table, Wc)
    # sae_energy = self.sae_tensor[shifted_numbers].sum(dim=-1)
    sae_energy = jnp.take(sae_tensor, shifted_numbers, axis=0).sum(-1)
    energy_hartree = model_energy + sae_energy
    energy_ev = energy_hartree * jnp.float32(HARTREE_TO_EV)
    # pred dict: energy, coord, numbers, charge, mult (as a tuple)
    return (energy_ev, coord, numbers_long, charge, mult)

if __name__ == "__main__":
    import jax
    _d = setup_inputs()
    print(jax.jit(kernel)(*tuple(_d.values())))

</pallas_src>

<mosaic_0001>
#map = affine_map<(d0, d1) -> (0, 0, 0)>
#map1 = affine_map<(d0, d1) -> (0)>
module attributes {stable_mosaic.version = 14 : i64} {
  func.func @_sae_kernel_fn(%arg0: i32, %arg1: i32, %arg2: memref<32x64x512xi32, #tpu.memory_space<hbm>>, %arg3: memref<128xf32, #tpu.memory_space<hbm>>, %arg4: memref<16384xf32, #tpu.memory_space<hbm>>, %arg5: memref<64x512xi32, #tpu.memory_space<vmem>>, %arg6: memref<128xf32, #tpu.memory_space<vmem>>, %arg7: memref<512xf32, #tpu.memory_space<vmem>>) attributes {dimension_semantics = [#tpu.dimension_semantics<core_parallel>, #tpu.dimension_semantics<subcore_parallel>], iteration_bounds = array<i64: 2, 16>, scalar_prefetch = 0 : i64, scratch_operands = 3 : i64, tpu.core_type = #tpu.core_type<sc_vector_subcore>, window_params = [{transform_indices = #map}, {transform_indices = #map1}, {transform_indices = #map1}]} {
    %mul3A = arith.constant 2 : i32
    %mul3A_0 = arith.muli %arg1, %mul3A : i32
    %add3A = arith.addi %mul3A_0, %arg0 : i32
    "tpu.region"() ({
      %run_scoped3A = tpu.sem_alloc : memref<!tpu.dma_semaphore, #tpu.memory_space<semaphore_mem>>
      %dma_start3A = arith.constant 0 : i32
      %dma_start3A_8 = arith.constant 0 : i32
      %dma_start3A_9 = tpu.memref_slice %arg2[%add3A, %dma_start3A, %dma_start3A_8] : memref<32x64x512xi32, #tpu.memory_space<hbm>> -> memref<1x64x512xi32, #tpu.memory_space<hbm>>
      %dma_start3A_10 = tpu.memref_squeeze %dma_start3A_9 : memref<1x64x512xi32, #tpu.memory_space<hbm>> -> memref<64x512xi32, #tpu.memory_space<hbm>>
      %dma_start3A_11 = arith.constant 0 : i32
      %dma_start3A_12 = arith.constant 0 : i32
      %dma_start3A_13 = tpu.memref_slice %arg2[%add3A, %dma_start3A_11, %dma_start3A_12] : memref<32x64x512xi32, #tpu.memory_space<hbm>> -> memref<1x64x512xi32, #tpu.memory_space<hbm>>
      %dma_start3A_14 = tpu.memref_squeeze %dma_start3A_13 : memref<1x64x512xi32, #tpu.memory_space<hbm>> -> memref<64x512xi32, #tpu.memory_space<hbm>>
      tpu.enqueue_dma source(%dma_start3A_14 : memref<64x512xi32, #tpu.memory_space<hbm>>) target(%arg5 : memref<64x512xi32, #tpu.memory_space<vmem>>) target_semaphore(%run_scoped3A : memref<!tpu.dma_semaphore, #tpu.memory_space<semaphore_mem>>)
      %dma_wait3A = arith.constant 0 : i32
      %dma_wait3A_15 = arith.constant 0 : i32
      %dma_wait3A_16 = tpu.memref_slice %arg2[%add3A, %dma_wait3A, %dma_wait3A_15] : memref<32x64x512xi32, #tpu.memory_space<hbm>> -> memref<1x64x512xi32, #tpu.memory_space<hbm>>
      %dma_wait3A_17 = tpu.memref_squeeze %dma_wait3A_16 : memref<1x64x512xi32, #tpu.memory_space<hbm>> -> memref<64x512xi32, #tpu.memory_space<hbm>>
      %dma_wait3A_18 = arith.constant 0 : i32
      %dma_wait3A_19 = arith.constant 0 : i32
      %dma_wait3A_20 = tpu.memref_slice %arg2[%add3A, %dma_wait3A_18, %dma_wait3A_19] : memref<32x64x512xi32, #tpu.memory_space<hbm>> -> memref<1x64x512xi32, #tpu.memory_space<hbm>>
      %dma_wait3A_21 = tpu.memref_squeeze %dma_wait3A_20 : memref<1x64x512xi32, #tpu.memory_space<hbm>> -> memref<64x512xi32, #tpu.memory_space<hbm>>
      tpu.wait_dma2 semaphore(%run_scoped3A : memref<!tpu.dma_semaphore, #tpu.memory_space<semaphore_mem>>) src(%dma_wait3A_21 : memref<64x512xi32, #tpu.memory_space<hbm>>) dst(%arg5 : memref<64x512xi32, #tpu.memory_space<vmem>>)
      tpu.yield
    }) : () -> ()
    "tpu.region"() ({
      %run_scoped3A = tpu.sem_alloc : memref<!tpu.dma_semaphore, #tpu.memory_space<semaphore_mem>>
      tpu.enqueue_dma source(%arg3 : memref<128xf32, #tpu.memory_space<hbm>>) target(%arg6 : memref<128xf32, #tpu.memory_space<vmem>>) target_semaphore(%run_scoped3A : memref<!tpu.dma_semaphore, #tpu.memory_space<semaphore_mem>>)
      tpu.wait_dma2 semaphore(%run_scoped3A : memref<!tpu.dma_semaphore, #tpu.memory_space<semaphore_mem>>) src(%arg3 : memref<128xf32, #tpu.memory_space<hbm>>) dst(%arg6 : memref<128xf32, #tpu.memory_space<vmem>>)
      tpu.yield
    }) : () -> ()
    %scan3A = arith.constant 0 : i32
    %scan3A_1 = arith.constant 0 : i32
    %scan3A_2 = arith.constant 32 : i32
    %scan3A_3 = arith.addi %scan3A_1, %scan3A_2 : i32
    %scan3A_4 = arith.constant 1 : i32
    scf.for %scan3A_8 = %scan3A_1 to %scan3A_3 step %scan3A_4  : i32 {
      %broadcast_in_dim3A = arith.constant 0.000000e+00 : f32
      %broadcast_in_dim3A_9 = vector.broadcast %broadcast_in_dim3A : f32 to vector<16xf32>
      %scan3A_10 = arith.constant 0 : i32
      %scan3A_11 = arith.constant 64 : i32
      %scan3A_12 = arith.addi %scan3A_10, %scan3A_11 : i32
      %scan3A_13 = arith.constant 1 : i32
      %scan3A_14 = scf.for %scan3A_22 = %scan3A_10 to %scan3A_12 step %scan3A_13 iter_args(%scan3A_23 = %broadcast_in_dim3A_9) -> (vector<16xf32>)  : i32 {
        %mul3A_24 = arith.constant 16 : i32
        %mul3A_25 = arith.muli %scan3A_8, %mul3A_24 : i32
        %get3A = arith.index_cast %scan3A_22 : i32 to index
        %get3A_26 = arith.index_cast %mul3A_25 : i32 to index
        %get3A_27 = tpu.vector_load %arg5[%get3A, %get3A_26] {strides = array<i32>} : memref<64x512xi32, #tpu.memory_space<vmem>>, vector<16xi32>,
        %gather3A = tpu.vector_load_idx %arg6[%get3A_27] : memref<128xf32, #tpu.memory_space<vmem>>[vector<16xi32>], vector<16xf32>,
        %add3A_28 = arith.addf %scan3A_23, %gather3A : vector<16xf32>
        scf.yield %add3A_28 : vector<16xf32>
      }
      %scan3A_15 = arith.constant 64 : i32
      %mul3A_16 = arith.constant 27.2113857 : f32
      %mul3A_17 = vector.broadcast %mul3A_16 : f32 to vector<16xf32>
      %mul3A_18 = arith.mulf %scan3A_14, %mul3A_17 : vector<16xf32>
      %mul3A_19 = arith.constant 16 : i32
      %mul3A_20 = arith.muli %scan3A_8, %mul3A_19 : i32
      %swap3A = arith.index_cast %mul3A_20 : i32 to index
      %swap3A_21 = tpu.vector_load %arg7[%swap3A] {strides = array<i32>} : memref<512xf32, #tpu.memory_space<vmem>>, vector<16xf32>,
      tpu.vector_store %arg7[%swap3A], %mul3A_18 {strides = array<i32>} : memref<512xf32, #tpu.memory_space<vmem>>, vector<16xf32>,
    }
    %scan3A_5 = arith.constant 32 : i32
    %mul3A_6 = arith.constant 512 : i32
    %mul3A_7 = arith.muli %add3A, %mul3A_6 : i32
    "tpu.region"() ({
      %run_scoped3A = tpu.sem_alloc : memref<!tpu.dma_semaphore, #tpu.memory_space<semaphore_mem>>
      %dma_start3A = tpu.memref_slice %arg4[%mul3A_7] : memref<16384xf32, #tpu.memory_space<hbm>> -> memref<512xf32, #tpu.memory_space<hbm>>
      %dma_start3A_8 = tpu.memref_slice %arg4[%mul3A_7] : memref<16384xf32, #tpu.memory_space<hbm>> -> memref<512xf32, #tpu.memory_space<hbm>>
      tpu.enqueue_dma source(%arg7 : memref<512xf32, #tpu.memory_space<vmem>>) target(%dma_start3A_8 : memref<512xf32, #tpu.memory_space<hbm>>) target_semaphore(%run_scoped3A : memref<!tpu.dma_semaphore, #tpu.memory_space<semaphore_mem>>)
      %dma_wait3A = tpu.memref_slice %arg4[%mul3A_7] : memref<16384xf32, #tpu.memory_space<hbm>> -> memref<512xf32, #tpu.memory_space<hbm>>
      %dma_wait3A_9 = tpu.memref_slice %arg4[%mul3A_7] : memref<16384xf32, #tpu.memory_space<hbm>> -> memref<512xf32, #tpu.memory_space<hbm>>
      tpu.wait_dma2 semaphore(%run_scoped3A : memref<!tpu.dma_semaphore, #tpu.memory_space<semaphore_mem>>) src(%arg7 : memref<512xf32, #tpu.memory_space<vmem>>) dst(%dma_wait3A_9 : memref<512xf32, #tpu.memory_space<hbm>>)
      tpu.yield
    }) : () -> ()
    return
  }
}

module attributes {stable_mosaic.version = 14 : i64} {
  func.func @_model_body(%arg0: i32, %arg1: memref<3x6400xbf16, #tpu.memory_space<vmem>>, %arg2: memref<1x6400xi32, #tpu.memory_space<vmem>>, %arg3: memref<128x64xbf16, #tpu.memory_space<vmem>>, %arg4: memref<64x3xbf16, #tpu.memory_space<vmem>>, %arg5: memref<1x128xbf16, #tpu.memory_space<vmem>>, %arg6: memref<6400x128xbf16, #tpu.memory_space<vmem>>, %arg7: memref<1x1x128xf32, #tpu.memory_space<vmem>>) attributes {dimension_semantics = [#tpu.dimension_semantics<parallel>], iteration_bounds = array<i64: 128>, scalar_prefetch = 0 : i64, scratch_operands = 0 : i64, tpu.core_type = #tpu.core_type<tc>, window_params = [{transform_indices = @transform_0, window_bounds = array<i64: 3, 6400>}, {transform_indices = @transform_1, window_bounds = array<i64: 1, 6400>}, {pipeline_mode = #tpu.pipeline_mode<synchronous>, transform_indices = @transform_2, window_bounds = array<i64: 128, 64>}, {pipeline_mode = #tpu.pipeline_mode<synchronous>, transform_indices = @transform_3, window_bounds = array<i64: 64, 3>}, {pipeline_mode = #tpu.pipeline_mode<synchronous>, transform_indices = @transform_4, window_bounds = array<i64: 1, 128>}, {pipeline_mode = #tpu.pipeline_mode<synchronous>, transform_indices = @transform_5, window_bounds = array<i64: 6400, 128>}, {transform_indices = @transform_6, window_bounds = array<i64: 1, 1, 128>}]} {
    %get3A = arith.constant 0 : index
    %get3A_0 = arith.constant 0 : index
    %get3A_1 = vector.load %arg4[%get3A, %get3A_0] : memref<64x3xbf16, #tpu.memory_space<vmem>>, vector<64x3xbf16>
    %get3A_2 = arith.constant 0 : index
    %get3A_3 = arith.constant 0 : index
    %get3A_4 = vector.load %arg1[%get3A_2, %get3A_3] : memref<3x6400xbf16, #tpu.memory_space<vmem>>, vector<3x6400xbf16>
    %dot_general3A = arith.constant dense<0.000000e+00> : vector<64x6400xf32>
    %dot_general3A_5 = tpu.matmul %get3A_1, %get3A_4, %dot_general3A {dimension_numbers = #tpu.dot_dimension_numbers<[1], [0], [0], [1], [0, 0, 1, 1], [], []>, transpose_lhs_hint = false} : vector<64x3xbf16>, vector<3x6400xbf16>, vector<64x6400xf32> -> vector<64x6400xf32>
    %tanh3A = math.tanh %dot_general3A_5 : vector<64x6400xf32>
    %get3A_6 = arith.constant 0 : index
    %get3A_7 = arith.constant 0 : index
    %get3A_8 = vector.load %arg3[%get3A_6, %get3A_7] : memref<128x64xbf16, #tpu.memory_space<vmem>>, vector<128x64xbf16>
    %convert_element_type3A = arith.truncf %tanh3A : vector<64x6400xf32> to vector<64x6400xbf16>
    %dot_general3A_9 = arith.constant dense<0.000000e+00> : vector<128x6400xf32>
    %dot_general3A_10 = tpu.matmul %get3A_8, %convert_element_type3A, %dot_general3A_9 {dimension_numbers = #tpu.dot_dimension_numbers<[1], [0], [0], [1], [0, 0, 1, 1], [], []>, transpose_lhs_hint = false} : vector<128x64xbf16>, vector<64x6400xbf16>, vector<128x6400xf32> -> vector<128x6400xf32>
    %get3A_11 = arith.constant 0 : index
    %get3A_12 = arith.constant 0 : index
    %get3A_13 = vector.load %arg2[%get3A_11, %get3A_12] : memref<1x6400xi32, #tpu.memory_space<vmem>>, vector<1x6400xi32>
    %sub3A = arith.constant 1 : i32
    %sub3A_14 = vector.broadcast %sub3A : i32 to vector<1x6400xi32>
    %sub3A_15 = arith.subi %get3A_13, %sub3A_14 : vector<1x6400xi32>
    %and3A = arith.constant 127 : i32
    %and3A_16 = vector.broadcast %and3A : i32 to vector<1x6400xi32>
    %and3A_17 = arith.andi %sub3A_15, %and3A_16 : vector<1x6400xi32>
    %iota3A = tpu.iota {dimensions = array<i32: 0>} : vector<128x6400xi32>
    %eq3A = vector.broadcast %and3A_17 : vector<1x6400xi32> to vector<128x6400xi32>
    %eq3A_18 = arith.cmpi eq, %iota3A, %eq3A : vector<128x6400xi32>
    %jit3A = arith.constant 0.000000e+00 : f32
    %broadcast_in_dim3A = vector.broadcast %jit3A : f32 to vector<128x6400xf32>
    %select_n3A = arith.select %eq3A_18, %dot_general3A_10, %broadcast_in_dim3A : vector<128x6400xi1>, vector<128x6400xf32>
    %get3A_19 = arith.constant 0 : index
    %get3A_20 = arith.constant 0 : index
    %get3A_21 = vector.load %arg5[%get3A_19, %get3A_20] : memref<1x128xbf16, #tpu.memory_space<vmem>>, vector<1x128xbf16>
    %convert_element_type3A_22 = arith.truncf %select_n3A : vector<128x6400xf32> to vector<128x6400xbf16>
    %dot_general3A_23 = arith.constant dense<0.000000e+00> : vector<1x6400xf32>
    %dot_general3A_24 = tpu.matmul %get3A_21, %convert_element_type3A_22, %dot_general3A_23 {dimension_numbers = #tpu.dot_dimension_numbers<[1], [0], [0], [1], [0, 0, 1, 1], [], []>, transpose_lhs_hint = false} : vector<1x128xbf16>, vector<128x6400xbf16>, vector<1x6400xf32> -> vector<1x6400xf32>
    %convert_element_type3A_25 = arith.truncf %dot_general3A_24 : vector<1x6400xf32> to vector<1x6400xbf16>
    %get3A_26 = arith.constant 0 : index
    %get3A_27 = arith.constant 0 : index
    %get3A_28 = vector.load %arg6[%get3A_26, %get3A_27] : memref<6400x128xbf16, #tpu.memory_space<vmem>>, vector<6400x128xbf16>
    %dot_general3A_29 = arith.constant dense<0.000000e+00> : vector<1x128xf32>
    %dot_general3A_30 = tpu.matmul %convert_element_type3A_25, %get3A_28, %dot_general3A_29 {dimension_numbers = #tpu.dot_dimension_numbers<[1], [0], [0], [1], [0, 0, 1, 1], [], []>, transpose_lhs_hint = false} : vector<1x6400xbf16>, vector<6400x128xbf16>, vector<1x128xf32> -> vector<1x128xf32>
    %mul3A = arith.constant 27.2113857 : f32
    %mul3A_31 = vector.broadcast %mul3A : f32 to vector<1x128xf32>
    %mul3A_32 = arith.mulf %dot_general3A_30, %mul3A_31 : vector<1x128xf32>
    %swap3A = arith.constant 0 : index
    %swap3A_33 = arith.constant 0 : index
    %swap3A_34 = arith.constant 0 : index
    %swap3A_35 = vector.load %arg7[%swap3A, %swap3A_33, %swap3A_34] : memref<1x1x128xf32, #tpu.memory_space<vmem>>, vector<1x1x128xf32>
    %swap3A_36 = vector.shape_cast %swap3A_35 : vector<1x1x128xf32> to vector<1x128xf32>
    %swap3A_37 = vector.shape_cast %mul3A_32 : vector<1x128xf32> to vector<1x1x128xf32>
    tpu.vector_store %arg7[%swap3A, %swap3A_33, %swap3A_34], %swap3A_37 {strides = array<i32>} : memref<1x1x128xf32, #tpu.memory_space<vmem>>, vector<1x1x128xf32>,
    return
  }
  func.func @transform_0(%arg0: i32) -> (i32, i32) {
    %c0_i32 = arith.constant 0 : i32
    %c0_i32_0 = arith.constant 0 : i32
    return %c0_i32, %arg0 : i32, i32
  }
  func.func @transform_1(%arg0: i32) -> (i32, i32) {
    %c0_i32 = arith.constant 0 : i32
    %c0_i32_0 = arith.constant 0 : i32
    return %c0_i32, %arg0 : i32, i32
  }
  func.func @transform_2(%arg0: i32) -> (i32, i32) {
    %c0_i32 = arith.constant 0 : i32
    %c0_i32_0 = arith.constant 0 : i32
    %c0_i32_1 = arith.constant 0 : i32
    return %c0_i32, %c0_i32_0 : i32, i32
  }
  func.func @transform_3(%arg0: i32) -> (i32, i32) {
    %c0_i32 = arith.constant 0 : i32
    %c0_i32_0 = arith.constant 0 : i32
    %c0_i32_1 = arith.constant 0 : i32
    return %c0_i32, %c0_i32_0 : i32, i32
  }
  func.func @transform_4(%arg0: i32) -> (i32, i32) {
    %c0_i32 = arith.constant 0 : i32
    %c0_i32_0 = arith.constant 0 : i32
    %c0_i32_1 = arith.constant 0 : i32
    return %c0_i32, %c0_i32_0 : i32, i32
  }
  func.func @transform_5(%arg0: i32) -> (i32, i32) {
    %c0_i32 = arith.constant 0 : i32
    %c0_i32_0 = arith.constant 0 : i32
    %c0_i32_1 = arith.constant 0 : i32
    return %c0_i32, %c0_i32_0 : i32, i32
  }
  func.func @transform_6(%arg0: i32) -> (i32, i32, i32) {
    %c0_i32 = arith.constant 0 : i32
    %c0_i32_0 = arith.constant 0 : i32
    %c0_i32_1 = arith.constant 0 : i32
    return %arg0, %c0_i32, %c0_i32_0 : i32, i32, i32
  }
}

</mosaic_0001>

<sc_bundles>
// kernel: kernel.4.cloned.1.call-start
scs
__scs_entry_jumppad:
0x0: {  	(pc) =	sbr.rel $0x88, $3  }
0x1: {  	(tag) =	ssettag $0x0;
	lr =	simm.s32 $0x1  }
0x2: {  	[smem:$0x3F9A] =	sst lr;
	_ =	strace $0xD0000000  }
0x3: {  	_ = 	snop  }
0x4: {  	_ = 	snop  }
0x5: {  	_ = 	snop  }
0x6: {  	_ = 	snop  }
0x7: {  	_ = 	snop  }
__scs_overlays_trampoline_lowered:
0x8: {  	[smem:$0x3FA9] =	sst s0  }
0x9: {  	[smem:$0x3FAA] =	sst s1  }
0xa: {  	[smem:$0x3FAB] =	sst s2  }
0xb: {  	[smem:$0x3FAC] =	sst s3  }
0xc: {  	[smem:$0x3FAD] =	sst s4  }
0xd: {  	[smem:$0x3FAE] =	sst s5  }
0xe: {  	[smem:$0x3FAF] =	sst s6  }
0xf: {  	[smem:$0x3FB0] =	sst s7  }
0x10: {  	[smem:$0x3FB1] =	sst s8  }
0x11: {  	[smem:$0x3FB2] =	sst s9;
	s0 =	simm.s32 @!p0 $0x0  }
0x12: {  	s1 =	sld [smem:$0x3F98];
	s0 =	simm.s32 @p0 $0x1  }
0x13: {  	[smem:$0x3FB3] =	sst s0;
	s0 =	simm.s32 @!p1 $0x0  }
0x14: {  	s2 =	sld [smem:$0x3F97];
	s0 =	simm.s32 @p1 $0x1  }
0x15: {  	[smem:$0x3FB4] =	sst s0;
	s0 =	simm.s32 @!p2 $0x0  }
0x16: {  	s3 =	sld [smem:$0x3FDB];
	s0 =	simm.s32 @p2 $0x1  }
0x17: {  	s4 =	simm.s32 $0x1BF5;
	[smem:$0x3FB6] =	sst s0  }
0x18: {  	s0 =	sld [smem:$0x3F99];
	_ =	swait.ge [sflag:s4], $0x0  }
0x19: {  	s7 =	sld [smem:$0x3F9A]  }
0x1a: {  	s8 =	sadd.s32 $0xFFFFE003, lr  }
0x1b: {  	s9 =	sadd.s32 $0xFFFFFEF7, lr;
	s5 =	simm.s32 $0xFFFFFFFF;
	p2 =	slt.u32 s8, $0xFFFFF086  }
0x1c: {  	p1 =	slt.u32 s9, $0xF7A;
	s5 =	simm.s32 @!p2 $0x0  }
0x1d: {  	s5 =	simm.s32 @p1 $0x1;
	p0 =	seq.s32 s7, s2  }
0x1e: {  	s7 =	smul.u32 @!p0 $0xF7A, s2;
	p2 =	seq.s32 @!p0 s5, $0x0  }
0x1f: {  	s9 =	smul.u32 $0xF7A, s1;
	s8 =	simm.s32 @!p0 $0x1BF5;
	p2 =	por !p2, p0  }
0x20: {  	[sflag:s8] =	ssyncset.s32 @!p0 $0xFFFFF086;
	s6 =	sadd.s32 @!p0 s3, s7;
	s7 =	simm.s32 @!p0 $0x108  }
0x21: {  	s3 =	sadd.s32 s3, s9;
	s6 =	sadd.s32 @!p0 $0x88, s6;
	s7 =	simm.s32 @p2 $0x1082  }
0x22: {  	[simem:s7], [sflag:s8] =	dma.local @!p0 [hbm:s6], $0xF7A  }
0x23: {  	s9 =	sor.u32 $0xD0000000, s2;
	s6 =	simm.s32 $0x108;
	_ =	swait.ge @!p0 [sflag:s8], $0x0  }
0x24: {  	s3 =	sadd.s32 $0x88, s3;
	s6 =	simm.s32 @!p1 $0x1082;
	[sflag:s4] =	ssyncset.s32 $0xFFFFF086  }
0x25: {  	[simem:s6], [sflag:s4] =	dma.local [hbm:s3], $0xF7A  }
0x26: {  	[smem:$0x3F9A] =	sst s1;
	(tag) =	ssettag s2;
	_ =	strace s9  }
0x27: {  	s1 =	sld [smem:$0x3FAA]  }
0x28: {  	s2 =	sld [smem:$0x3FAB]  }
0x29: {  	s4 =	sld [smem:$0x3FAD]  }
0x2a: {  	p0 =	seq.s32 s5, $0x0;
	s5 =	sld [smem:$0x3FAE]  }
0x2b: {  	s6 =	sld [smem:$0x3FAF]  }
0x2c: {  	s7 =	sld [smem:$0x3FB0]  }
0x2d: {  	s3 =	simm.s32 $0x108;
	s8 =	sld [smem:$0x3FB1]  }
0x2e: {  	s3 =	simm.s32 @!p0 $0x1082;
	s9 =	sld [smem:$0x3FB2]  }
0x2f: {  	lr =	sadd.s32 s0, s3;
	s0 =	sld [smem:$0x3FA9]  }
0x30: {  	s3 =	sld [smem:$0x3FAC]  }
0x31: {  	[smem:$0x3FB5] =	sst s10  }
0x32: {  	s10 =	sld [smem:$0x3FB3];
	_ =	sdelay $0x3  }
0x33: {  	p0 =	seq.s32 s10, $0x1;
	s10 =	sld [smem:$0x3FB5];
	_ =	sdelay $0x3  }
0x34: {  	[smem:$0x3FB5] =	sst s10  }
0x35: {  	s10 =	sld [smem:$0x3FB4];
	_ =	sdelay $0x3  }
0x36: {  	p1 =	seq.s32 s10, $0x1;
	s10 =	sld [smem:$0x3FB5];
	_ =	sdelay $0x3  }
0x37: {  	[smem:$0x3FB5] =	sst s10  }
0x38: {  	s10 =	sld [smem:$0x3FB6]  }
0x39: {  	_ = 	snop;
	(pc) =	sbr.ind lr, $3  }
0x3a: {  	_ = 	snop  }
0x3b: {  	_ = 	snop  }
0x3c: {  	p2 =	seq.s32 s10, $0x1;
	s10 =	sld [smem:$0x3FB5]  }
0x3d: {  	_ =	shalt  }
0x3e: {  	_ =	shalt  }
0x3f: {  	_ =	shalt  }
0x40: {  	_ =	shalt  }
0x41: {  	_ =	shalt  }
0x42: {  	_ =	shalt  }
0x43: {  	_ =	shalt  }
0x44: {  	_ =	shalt  }
0x45: {  	_ =	shalt  }
0x46: {  	_ =	shalt  }
0x47: {  	_ =	shalt  }
0x48: {  	_ =	shalt  }
0x49: {  	_ =	shalt  }
0x4a: {  	_ =	shalt  }
0x4b: {  	_ =	shalt  }
0x4c: {  	_ =	shalt  }
0x4d: {  	_ =	shalt  }
0x4e: {  	_ =	shalt  }
0x4f: {  	_ =	shalt  }
0x50: {  	_ =	shalt  }
0x51: {  	_ =	shalt  }
0x52: {  	_ =	shalt  }
0x53: {  	_ =	shalt  }
0x54: {  	_ =	shalt  }
0x55: {  	_ =	shalt  }
0x56: {  	_ =	shalt  }
0x57: {  	_ =	shalt  }
0x58: {  	_ =	shalt  }
0x59: {  	_ =	shalt  }
0x5a: {  	_ =	shalt  }
0x5b: {  	_ =	shalt  }
0x5c: {  	_ =	shalt  }
0x5d: {  	_ =	shalt  }
0x5e: {  	_ =	shalt  }
0x5f: {  	_ =	shalt  }
0x60: {  	_ =	shalt  }
0x61: {  	_ =	shalt  }
0x62: {  	_ =	shalt  }
0x63: {  	_ =	shalt  }
0x64: {  	_ =	shalt  }
0x65: {  	_ =	shalt  }
0x66: {  	_ =	shalt  }
0x67: {  	_ =	shalt  }
0x68: {  	_ =	shalt  }
0x69: {  	_ =	shalt  }
0x6a: {  	_ =	shalt  }
0x6b: {  	_ =	shalt  }
0x6c: {  	_ =	shalt  }
0x6d: {  	_ =	shalt  }
0x6e: {  	_ =	shalt  }
0x6f: {  	_ =	shalt  }
0x70: {  	_ =	shalt  }
0x71: {  	_ =	shalt  }
0x72: {  	_ =	shalt  }
0x73: {  	_ =	shalt  }
0x74: {  	_ =	shalt  }
0x75: {  	_ =	shalt  }
0x76: {  	_ =	shalt  }
0x77: {  	_ =	shalt  }
0x78: {  	_ =	shalt  }
0x79: {  	_ =	shalt  }
0x7a: {  	_ =	shalt  }
0x7b: {  	_ =	shalt  }
0x7c: {  	_ =	shalt  }
0x7d: {  	_ =	shalt  }
0x7e: {  	_ =	shalt  }
0x7f: {  	_ =	shalt  }
0x80: {  	_ =	shalt  }
0x81: {  	_ =	shalt  }
0x82: {  	_ =	shalt  }
0x83: {  	_ =	shalt  }
0x84: {  	_ =	shalt  }
0x85: {  	_ =	shalt  }
0x86: {  	_ =	shalt  }
0x87: {  	_ =	shalt  }
.Lfunc_end0:
.L_simem_size_0:
called_computation_lowered:
.L_overlay_start_0:
0x88: {  	s2 =	sld [smem:$0x3FD9]  }
0x89: {  	s3 =	sld [smem:$0x3FFE];
	_ =	sdelay $0x1  }
0x8a: {  	s1 =	srdreg.scid  }
0x8b: {  	s0 =	sand.u32 $0x1, s1  }
0x8c: {  	s14 =	sshll.u32 s0, $0xA;
	s2 =	sadd.s32 s3, s2  }
0x8d: {  	s2 =	sadd.s32 s2, s14  }
0x8e: {  	[smem:$0x3FC1] =	sst s2  }
0x8f: {  	_ = 	snop  }
0x90: {  	s2 =	sld [smem:$0x3FD0];
	_ =	sdelay $0x2  }
0x91: {  	s15 =	simm.s32 $0xA;
	s4 =	simm.s32 $0x10  }
0x92: {  	[smem:s4], [sflag:s15] =	dma.local [hbm:s2], $0x1  }
0x93: {  	_ =	swait.eq [sflag:s15], $0x1  }
0x94: {  	[sflag:s15] =	ssyncset.done $0x0  }
0x95: {  	s16 =	sld [smem:$0x13];
	[sflag:s15] =	ssyncadd.s32 $0xFFFFFFFF  }
0x96: {  	s17 =	sld [smem:$0x14];
	(tm) =	ssettm $0x1  }
0x97: {  	s18 =	sld [smem:$0x3FFB];
	_ =	sdelay $0x3  }
0x98: {  	_ =	strace s18  }
0x99: {  	s4 =	sld [smem:$0x3FFC];
	_ =	sdelay $0x3  }
0x9a: {  	_ =	strace s4  }
0x9b: {  	s4 =	sld [smem:$0x3FFD];
	_ =	sdelay $0x3  }
0x9c: {  	_ =	strace s4  }
0x9d: {  	_ =	strace $0x8FFFFFFF  }
0x9e: {  	s19 =	sld [smem:$0x3FDB];
	_ =	sdelay $0x1  }
0x9f: {  	s5 =	simm.s32 $_scs_section_size  }
0xa0: {  	s6 =	simm.s32 $_size__tile_overlayer_lowered;
	s7 =	simm.s32 $_tile_overlayer_lowered  }
0xa1: {  	s22 =	simm.s32 $0x1BFF;
	s21 =	sshll.u32 s7, $0x1;
	s4 =	sadd.s32 s5, s19  }
0xa2: {  	s8 =	simm.s32 $0x0;
	s20 =	sshll.u32 s6, $0x1;
	s6 =	sadd.s32 s21, s4  }
0xa3: {  	[timem:s8], [sflag:s22] =	dma.local [hbm:s6], s20  }
0xa4: {  	_ =	swait.ge [sflag:s22], s20  }
0xa5: {  	s5 =	ssub.s32 $0x0, s20;
	[sflag:s22] =	ssyncset.done $0x0  }
0xa6: {  	[sflag:s22] =	ssyncadd.s32 s5;
	_ =	sdelay $0x1  }
0xa7: {  	s23 =	simm.s32 $0x1B8B  }
0xa8: {  	_ =	swait.ge [sflag:s23], $0x1  }
0xa9: {  	[sflag:s23] =	ssyncset.done $0x0  }
0xaa: {  	s25 =	simm.s32 $0x1B8E;
	s24 =	sld [smem:$0x3FFE];
	[sflag:s23] =	ssyncadd.s32 $0xFFFFFFFF  }
0xab: {  	s26 =	simm.s32 $execute0_lowered;
	[smem:$0x3FD2] =	sst s25  }
0xac: {  	s6 =	sshll.u32 s26, $0x1;
	_ =	strace $0x80000046;
	[dreg:$0x1] =	wrdreg $0xFFFFFFFF  }
0xad: {  	s28 =	simm.s32 $_size_execute0_lowered;
	s4 =	sadd.s32 s4, s6;
	[dreg:$0x0] =	wrdreg $0x0  }
0xae: {  	s6 =	sshll.u32 s28, $0x1;
	[dreg:$0x2] =	wrdreg s4  }
0xaf: {  	[dreg:$0x3] =	wrdreg s6  }
0xb0: {  	[dreg:$0x4] =	wrdreg $0xC0  }
0xb1: {  	_ =	task [dreg:s8], $0x5FFFF  }
0xb2: {  	[dreg:$0x1] =	wrdreg $0xFFFFFFFF  }
0xb3: {  	[dreg:$0x0] =	wrdreg $0x60  }
0xb4: {  	[dreg:$0x2] =	wrdreg s24  }
0xb5: {  	[dreg:$0x3] =	wrdreg s16  }
0xb6: {  	[dreg:$0x4] =	wrdreg s17  }
0xb7: {  	[dreg:$0x5] =	wrdreg $0x9  }
0xb8: {  	_ =	task.clear_ibuf [dreg:s8], $0x6FFFF;
	_ =	strace $0x90000046  }
0xb9: {  	s29 =	simm.s32 $0x9;
	_ =	strace $0x80000048  }
0xba: {  	_ =	swait.ge [sflag:s29], $0x1  }
0xbb: {  	[sflag:s29] =	ssyncadd.s32 $0xFFFFFFFF  }
0xbc: {  	_ =	strace $0x90000048  }
0xbd: {  	_ =	sfence  }
0xbe: {  	s30 =	sld [smem:$0x0];
	_ =	sdelay $0x2  }
0xbf: {  	s31 =	sshll.u32 s1, $0xD;
	s1 =	sshrl.u32 s1, $0x2  }
0xc0: {  	s3 =	sand.u32 $0x4000, s31;
	s1 =	sadd.s32 s1, s30  }
0xc1: {  	s0 =	sor.u32 s3, s0;
	s1 =	sshll.u32 s1, $0x11  }
0xc2: {  	s0 =	sor.u32 s1, s0  }
0xc3: {  	s0 =	sadd.s32 $0x8F2B, s0  }
0xc4: {  	[sflag:s0] =	ssyncadd.remote.s32 $0x1  }
0xc5: {  	_ =	sfence.sel $0xFFFF  }
0xc6: {  	[dreg:$0x0] =	wrdreg $0xFFFFFFFF;
	(pc) =	sbr.abs _section_cstart, $3  }
0xc7: {  	[dreg:$0x1] =	wrdreg $0xFFFFFFFF  }
0xc8: {  	_ =	task.clear_ibuf [dreg:s8], $0x2FFFF;
	_ =	strace $0x9FFFFFFF  }
0xc9: {  	(tm) =	ssettm $0x7FFFFFFF  }
tec
execute0_lowered:
.L_overlay_start_1:
0x0: {  	(tag) =	ssettag $0x1  }
0x1: {  	s4 =	rddreg [dreg:$0x0]  }
0x2: {  	s2 =	rddreg [dreg:$0x1]  }
0x3: {  	s1 =	srdreg.scid;
	s0 =	stileid.u32  }
0x4: {  	s5 =	rddreg [dreg:$0x2];
	s3 =	simm.s32 $0x0;
	s9 =	simm.s32 $0x8080  }
0x5: {  	s6 =	sand.u32 $0x1, s1;
	s7 =	sshll.u32 s0, $0x1;
	s1 =	rddreg [dreg:$0x3]  }
0x6: {  	s10 =	simm.s32 $0x0;
	[smem:$0x7FF] =	sst s3;
	s7 =	sor.u32 s6, s7  }
0x7: {  	s6 =	ssub.s32 $0x2, s6;
	_ =	strace $0x80000047;
	s8 =	sshll.u32 s7, $0xC  }
0x8: {  	s31 =	sshrl.u32 s6, $0x1;
	s7 =	sshll.u32 s7, $0x6;
	s4 =	sadd.s32 s8, s4  }
0x9: {  	s6 =	ssub.s32 s6, s31;
	s5 =	sadd.s32 s5, s7;
	s7 =	simm.s32 $0x1  }
0xa: {  	s8 =	simm.s32 $0x8000;
	s4 =	sadd.s32 $0x2000, s4;
	s6 =	smax.u32 s6, $0x1  }
.LBB2_1:
0xb: {  	[tilespmem:s3], [sflag:$0x1] =	stream.linear.gather [hbm4b:s4+s3], $0x8000, $0x38;
	[tilespmem:$0x8280] =	vst v63  }
0xc: {  	_ =	swait.ge [sflag:s7], $0x8000  }
0xd: {  	[sflag:s7] =	ssyncset.done $0x0  }
0xe: {  	[sflag:s7] =	ssyncadd.s32 $0xFFFF8000  }
0xf: {  	[tilespmem:s8], [sflag:$0x1] =	stream.linear.gather [hbm4b:s2+s3], $0x80, $0x38;
	[tilespmem:$0x8280] =	vst v63  }
0x10: {  	_ =	swait.ge [sflag:s7], $0x80  }
0x11: {  	[sflag:s7] =	ssyncset.done $0x0  }
0x12: {  	s11 =	simm.s32 $0x0;
	[sflag:s7] =	ssyncadd.s32 $0xFFFFFF80  }
.LBB2_2:
0x13: {  	s12 =	sshll.u32 s11, $0x4  }
0x14: {  	s13 =	sand.u32 $0x70, s12  }
0x15: {  	v0 =	vmov s13  }
0x16: {  	s31 =	sshll.u32 s11, $0x7;
	s14 =	simm.s32 $0x0  }
0x17: {  	s15 =	sand.u32 $0x7000, s14;
	s13 =	sand.u32 $0xC00, s31  }
0x18: {  	s14 =	sand.u32 $0x380, s14;
	s15 =	sor.u32 s15, s13  }
0x19: {  	s14 =	sadd.s32 s14, s15  }
0x1a: {  	v2 =	vld.idx.msk [tilespmem:v0+s14+$0x0 ss:$0x1], $0xffff;
	_ =	sdelay $0x4  }
0x1b: {  	s16 =	simm.s32 $0x200  }
0x1c: {  	v1 =	vimm.f32 $0.0e+00;
	s16 =	sand.u32 $0x7000, s16;
	s15 =	simm.s32 $0x400;
	s14 =	simm.s32 $0x80  }
.LBB2_3:
0x1d: {  	p0 =	sne.s32 s15, $0x7E00;
	s17 =	sand.u32 $0x380, s14;
	s16 =	sor.u32 s16, s13  }
0x1e: {  	s16 =	sadd.s32 s17, s16;
	v3 =	vld.idx.msk [tilespmem:v2+s8+$0x0], $0xffff  }
0x1f: {  	v2 =	vld.idx.msk [tilespmem:v0+s16+$0x0 ss:$0x1], $0xffff;
	_ =	sdelay $0x1  }
.Ltmp0:
0x20: {  	(pc) =	sbr.rel @p0 .LBB2_3-.Ltmp0, $3  }
0x21: {  	_ =	sdelay $0x1  }
0x22: {  	v1 =	vadd.f32 v3, v1  }
0x23: {  	s14 =	sadd.s32 $0x80, s14;
	s16 =	sand.u32 $0x7000, s15;
	s15 =	sadd.s32 $0x200, s15  }
0x24: {  	_ =	sdelay $0x1  }
0x25: {  	s14 =	sand.u32 $0x380, s14;
	s13 =	sor.u32 s16, s13  }
0x26: {  	s13 =	sadd.s32 s14, s13  }
0x27: {  	v0 =	vld.idx.msk [tilespmem:v0+s13+$0x0 ss:$0x1], $0xffff;
	_ =	sdelay $0x5  }
0x28: {  	v2 =	vld.idx.msk [tilespmem:v2+s8+$0x0], $0xffff;
	_ =	sdelay $0x1  }
0x29: {  	v0 =	vld.idx.msk [tilespmem:v0+s8+$0x0], $0xffff;
	_ =	sdelay $0x2  }
0x2a: {  	s11 =	sadd.s32 $0x1, s11;
	v1 =	vadd.f32 v2, v1  }
0x2b: {  	p0 =	sne.s32 s11, $0x20  }
.Ltmp1:
0x2c: {  	v0 =	vadd.f32 v0, v1;
	(pc) =	sbr.rel @p0 .LBB2_2-.Ltmp1, $4  }
0x2d: {  	_ = 	snop  }
0x2e: {  	v0 =	vmul.f32 $2.721138570e+01, v0  }
0x2f: {  	s12 =	sand.u32 $0x3FFFFFF0, s12  }
0x30: {  	[tilespmem:s12+$0x8080] =	vst v0  }
0x31: {  	s10 =	sadd.s32 $0x1, s10  }
0x32: {  	p0 =	sne.s32 s10, s6  }
.Ltmp2:
0x33: {  	_ = 	snop;
	(pc) =	sbr.rel @p0 .LBB2_1-.Ltmp2, $4  }
0x34: {  	[hbm4b:s5+s3] =	stream.linear.scatter [tilespmem:s9], [sflag:$0x1], $0x200, $0x38;
	[tilespmem:$0x8280] =	vst v63  }
0x35: {  	_ =	swait.ge [sflag:s7], $0x200  }
0x36: {  	[sflag:s7] =	ssyncset.done $0x0  }
0x37: {  	[sflag:s7] =	ssyncadd.s32 $0xFFFFFE00  }
0x38: {  	_ =	sfence.sel $0x180000  }
0x39: {  	[bflag:$0x0] =	sbarrier.arrive $0xFFFF  }
0x3a: {  	p0 =	sne.s32 s0, $0x0;
	_ =	strace $0x90000047  }
0x3b: {  	s0 =	sadd.s32 @!p0 $0x100000, s1;
	[bflag:$0x2] =	sbarrier.arrive $0xFFFF  }
0x3c: {  	[sflag:s0] =	ssyncadd.tile.s32 @!p0 $0x1;
	_ =	shalt  }
.Lfunc_end2:
_tile_overlayer_lowered:
.L_overlay_start_2:
0x3d: {  	(tag) =	ssettag $0x2  }
0x3e: {  	s0 =	rddreg [dreg:$0x0];
	s2 =	stileid.u32  }
0x3f: {  	s1 =	rddreg [dreg:$0x1];
	p0 =	sne.s32 s2, $0x0  }
0x40: {  	s3 =	rddreg [dreg:$0x2];
	[bflag:$0x3] =	sbarrier.arrive $0xFFFF;
	s2 =	simm.s32 @!p0 $0x1C01  }
0x41: {  	[timem:s3], [sflag:s2] =	dma.local @!p0 [hbm:s0], s1  }
0x42: {  	s0 =	simm.s32 @!p0 $0x1  }
0x43: {  	_ =	swait.ge @!p0 [sflag:s0], s1  }
0x44: {  	s1 =	ssub.s32 @!p0 $0x0, s1;
	[sflag:s0] =	ssyncset.done @!p0 $0x0  }
0x45: {  	[sflag:s0] =	ssyncadd.s32 @!p0 s1  }
0x46: {  	[bflag:$0x3] =	sbarrier.arrive $0xFFFF  }
0x47: {  	_ =	shalt  }

</sc_bundles>
